<compile_context>
chip_gen: v7x
topology: tpu7x:2x2x1
jax: 0.10.2.dev20260603
libtpu: 0.0.44.dev20260713+nightly
codegen_flags: <defaults>
</compile_context>

<pallas_src>
import jax
import jax.numpy as jnp
from jax import lax
from jax.experimental import pallas as pl
from jax.experimental.pallas import tpu as pltpu
from jax.experimental.pallas import tpu_sc as plsc

_ROWS = 8192
_EMB = 1024
_NBUF = 2

_S_SIZES = (32,) * 5
_S_PER_TILE = sum(_S_SIZES)
_STREAM_ROWS = 30 * _S_PER_TILE

_P_SIZES = (424,) * 4
_P_PER_CORE = sum(_P_SIZES)

assert _STREAM_ROWS + 2 * _P_PER_CORE == _ROWS


def _ring(table_hbm, out_hbm, bufs, sis, sos, base, sizes):
    nchunk = len(sizes)
    offs = [sum(sizes[:i]) for i in range(nchunk)]
    ins = [
        pltpu.make_async_copy(
            table_hbm.at[pl.ds(base + offs[i], sizes[i])],
            bufs[i % _NBUF],
            sis[i % _NBUF],
        )
        for i in range(nchunk)
    ]
    outs = [
        pltpu.make_async_copy(
            bufs[i % _NBUF],
            out_hbm.at[pl.ds(base + offs[i], sizes[i])],
            sos[i % _NBUF],
        )
        for i in range(nchunk)
    ]
    for i in range(-(_NBUF - 1), nchunk):
        k = i + _NBUF - 1
        if 0 <= k < nchunk:
            if k >= _NBUF:
                outs[k - _NBUF].wait()
            ins[k].start()
        if i >= 0:
            ins[i].wait()
            outs[i].start()
    for i in range(max(0, nchunk - _NBUF), nchunk):
        outs[i].wait()


def _copy_body(table_hbm, out_hbm, *scratch):
    vbufs = scratch[:_NBUF]
    pbufs = scratch[_NBUF:2 * _NBUF]
    sis = scratch[2 * _NBUF:3 * _NBUF]
    sos = scratch[3 * _NBUF:]
    c = lax.axis_index("c")
    s = lax.axis_index("s")

    @pl.when(s == 0)
    def _spmem_path():
        base = _STREAM_ROWS + c * _P_PER_CORE
        _ring(table_hbm, out_hbm, pbufs, sis, sos, base, _P_SIZES)

    @pl.when(s != 0)
    def _stream_path():
        swid = (s - 1) * 2 + c
        base = swid * _S_PER_TILE
        _ring(table_hbm, out_hbm, vbufs, sis, sos, base, _S_SIZES)


def kernel(x, table):
    del x
    mesh = plsc.VectorSubcoreMesh(core_axis_name="c", subcore_axis_name="s")
    out = pl.kernel(
        _copy_body,
        out_type=jax.ShapeDtypeStruct((_ROWS, _EMB), jnp.float32),
        mesh=mesh,
        scratch_types=(
            [pltpu.VMEM((_S_SIZES[0], _EMB), jnp.float32)] * _NBUF
            + [pltpu.VMEM_SHARED((_P_SIZES[0], _EMB), jnp.float32)] * _NBUF
            + [pltpu.SemaphoreType.DMA] * (2 * _NBUF)
        ),
    )(table)
    return out[None]

# --- scband reference (transcript-rebuilt; emitter-appended) ---
"""Pipeline reference for scband-position-embedding-19507741458716 (READ-ONLY COPY).

The authoritative reference and input builder live on the scoring server;
editing this copy changes nothing except your own understanding.
"""

import jax, jax.numpy as jnp
import numpy as np

MAX_POSITION = 8192
EMBEDDING_SIZE = 1024


def setup_inputs(seed: int = 0) -> dict:
    key = jax.random.key(seed)
    k1, k2 = jax.random.split(key)
    x = jax.random.randint(k1, (4, 8192), 0, MAX_POSITION, dtype=jnp.int64 if jax.config.jax_enable_x64 else jnp.int32)
    table = jax.random.normal(k2, (MAX_POSITION, EMBEDDING_SIZE), dtype=jnp.float32)
    return {"x": x, "table": table}


def reference(x, table):
    # PositionEmbedding.forward: build pos_ids = arange(seq_len)[None, :], then embed.
    seq_len = x.shape[1]
    pos_ids = jnp.arange(seq_len)[None, :]  # [1, seq_len]
    out = jnp.take(table, pos_ids, axis=0)  # [1, seq_len, embedding_size]
    return out

if __name__ == "__main__":
    import jax
    _d = setup_inputs()
    print(jax.jit(kernel)(*tuple(_d.values())))

</pallas_src>

<mosaic_0001>
#map = affine_map<(d0, d1) -> (0, 0)>
module attributes {stable_mosaic.version = 14 : i64} {
  func.func @_copy_body(%arg0: i32, %arg1: i32, %arg2: memref<8192x1024xf32, #tpu.memory_space<hbm>>, %arg3: memref<8192x1024xf32, #tpu.memory_space<hbm>>, %arg4: memref<32x1024xf32, #tpu.memory_space<vmem>>, %arg5: memref<32x1024xf32, #tpu.memory_space<vmem>>, %arg6: memref<424x1024xf32, #tpu.memory_space<vmem_shared>>, %arg7: memref<424x1024xf32, #tpu.memory_space<vmem_shared>>, %arg8: memref<!tpu.dma_semaphore, #tpu.memory_space<semaphore_mem>>, %arg9: memref<!tpu.dma_semaphore, #tpu.memory_space<semaphore_mem>>, %arg10: memref<!tpu.dma_semaphore, #tpu.memory_space<semaphore_mem>>, %arg11: memref<!tpu.dma_semaphore, #tpu.memory_space<semaphore_mem>>) attributes {dimension_semantics = [#tpu.dimension_semantics<core_parallel>, #tpu.dimension_semantics<subcore_parallel>], iteration_bounds = array<i64: 2, 16>, scalar_prefetch = 0 : i64, scratch_operands = 8 : i64, tpu.core_type = #tpu.core_type<sc_vector_subcore>, window_params = [{transform_indices = #map}, {transform_indices = #map}]} {
    %eq3A = arith.constant 0 : i32
    %eq3A_0 = arith.cmpi eq, %arg1, %eq3A : i32
    %convert_element_type3A = arith.extui %eq3A_0 : i1 to i32
    %cond3A = arith.constant 0 : i32
    %cond3A_1 = arith.cmpi ne, %convert_element_type3A, %cond3A : i32
    scf.if %cond3A_1 {
      %mul3A = arith.constant 1696 : i32
      %mul3A_6 = arith.muli %arg0, %mul3A : i32
      %add3A = arith.constant 4800 : i32
      %add3A_7 = arith.addi %add3A, %mul3A_6 : i32
      %add3A_8 = arith.constant 0 : i32
      %add3A_9 = arith.addi %add3A_7, %add3A_8 : i32
      %add3A_10 = arith.constant 424 : i32
      %add3A_11 = arith.addi %add3A_7, %add3A_10 : i32
      %add3A_12 = arith.constant 848 : i32
      %add3A_13 = arith.addi %add3A_7, %add3A_12 : i32
      %add3A_14 = arith.constant 1272 : i32
      %add3A_15 = arith.addi %add3A_7, %add3A_14 : i32
      %add3A_16 = arith.constant 0 : i32
      %add3A_17 = arith.addi %add3A_7, %add3A_16 : i32
      %add3A_18 = arith.constant 424 : i32
      %add3A_19 = arith.addi %add3A_7, %add3A_18 : i32
      %add3A_20 = arith.constant 848 : i32
      %add3A_21 = arith.addi %add3A_7, %add3A_20 : i32
      %add3A_22 = arith.constant 1272 : i32
      %add3A_23 = arith.addi %add3A_7, %add3A_22 : i32
      %dma_start3A = arith.constant 0 : i32
      %dma_start3A_24 = tpu.memref_slice %arg2[%add3A_9, %dma_start3A] : memref<8192x1024xf32, #tpu.memory_space<hbm>> -> memref<424x1024xf32, #tpu.memory_space<hbm>>
      tpu.enqueue_dma source(%dma_start3A_24 : memref<424x1024xf32, #tpu.memory_space<hbm>>) target(%arg6 : memref<424x1024xf32, #tpu.memory_space<vmem_shared>>) target_semaphore(%arg8 : memref<!tpu.dma_semaphore, #tpu.memory_space<semaphore_mem>>)
      %dma_start3A_25 = arith.constant 0 : i32
      %dma_start3A_26 = tpu.memref_slice %arg2[%add3A_11, %dma_start3A_25] : memref<8192x1024xf32, #tpu.memory_space<hbm>> -> memref<424x1024xf32, #tpu.memory_space<hbm>>
      tpu.enqueue_dma source(%dma_start3A_26 : memref<424x1024xf32, #tpu.memory_space<hbm>>) target(%arg7 : memref<424x1024xf32, #tpu.memory_space<vmem_shared>>) target_semaphore(%arg9 : memref<!tpu.dma_semaphore, #tpu.memory_space<semaphore_mem>>)
      %dma_wait3A = arith.constant 0 : i32
      %dma_wait3A_27 = tpu.memref_slice %arg2[%add3A_9, %dma_wait3A] : memref<8192x1024xf32, #tpu.memory_space<hbm>> -> memref<424x1024xf32, #tpu.memory_space<hbm>>
      tpu.wait_dma2 semaphore(%arg8 : memref<!tpu.dma_semaphore, #tpu.memory_space<semaphore_mem>>) src(%dma_wait3A_27 : memref<424x1024xf32, #tpu.memory_space<hbm>>) dst(%arg6 : memref<424x1024xf32, #tpu.memory_space<vmem_shared>>)
      %dma_start3A_28 = arith.constant 0 : i32
      %dma_start3A_29 = tpu.memref_slice %arg3[%add3A_17, %dma_start3A_28] : memref<8192x1024xf32, #tpu.memory_space<hbm>> -> memref<424x1024xf32, #tpu.memory_space<hbm>>
      tpu.enqueue_dma source(%arg6 : memref<424x1024xf32, #tpu.memory_space<vmem_shared>>) target(%dma_start3A_29 : memref<424x1024xf32, #tpu.memory_space<hbm>>) target_semaphore(%arg10 : memref<!tpu.dma_semaphore, #tpu.memory_space<semaphore_mem>>)
      %dma_wait3A_30 = arith.constant 0 : i32
      %dma_wait3A_31 = tpu.memref_slice %arg3[%add3A_17, %dma_wait3A_30] : memref<8192x1024xf32, #tpu.memory_space<hbm>> -> memref<424x1024xf32, #tpu.memory_space<hbm>>
      tpu.wait_dma2 semaphore(%arg10 : memref<!tpu.dma_semaphore, #tpu.memory_space<semaphore_mem>>) src(%arg6 : memref<424x1024xf32, #tpu.memory_space<vmem_shared>>) dst(%dma_wait3A_31 : memref<424x1024xf32, #tpu.memory_space<hbm>>)
      %dma_start3A_32 = arith.constant 0 : i32
      %dma_start3A_33 = tpu.memref_slice %arg2[%add3A_13, %dma_start3A_32] : memref<8192x1024xf32, #tpu.memory_space<hbm>> -> memref<424x1024xf32, #tpu.memory_space<hbm>>
      tpu.enqueue_dma source(%dma_start3A_33 : memref<424x1024xf32, #tpu.memory_space<hbm>>) target(%arg6 : memref<424x1024xf32, #tpu.memory_space<vmem_shared>>) target_semaphore(%arg8 : memref<!tpu.dma_semaphore, #tpu.memory_space<semaphore_mem>>)
      %dma_wait3A_34 = arith.constant 0 : i32
      %dma_wait3A_35 = tpu.memref_slice %arg2[%add3A_11, %dma_wait3A_34] : memref<8192x1024xf32, #tpu.memory_space<hbm>> -> memref<424x1024xf32, #tpu.memory_space<hbm>>
      tpu.wait_dma2 semaphore(%arg9 : memref<!tpu.dma_semaphore, #tpu.memory_space<semaphore_mem>>) src(%dma_wait3A_35 : memref<424x1024xf32, #tpu.memory_space<hbm>>) dst(%arg7 : memref<424x1024xf32, #tpu.memory_space<vmem_shared>>)
      %dma_start3A_36 = arith.constant 0 : i32
      %dma_start3A_37 = tpu.memref_slice %arg3[%add3A_19, %dma_start3A_36] : memref<8192x1024xf32, #tpu.memory_space<hbm>> -> memref<424x1024xf32, #tpu.memory_space<hbm>>
      tpu.enqueue_dma source(%arg7 : memref<424x1024xf32, #tpu.memory_space<vmem_shared>>) target(%dma_start3A_37 : memref<424x1024xf32, #tpu.memory_space<hbm>>) target_semaphore(%arg11 : memref<!tpu.dma_semaphore, #tpu.memory_space<semaphore_mem>>)
      %dma_wait3A_38 = arith.constant 0 : i32
      %dma_wait3A_39 = tpu.memref_slice %arg3[%add3A_19, %dma_wait3A_38] : memref<8192x1024xf32, #tpu.memory_space<hbm>> -> memref<424x1024xf32, #tpu.memory_space<hbm>>
      tpu.wait_dma2 semaphore(%arg11 : memref<!tpu.dma_semaphore, #tpu.memory_space<semaphore_mem>>) src(%arg7 : memref<424x1024xf32, #tpu.memory_space<vmem_shared>>) dst(%dma_wait3A_39 : memref<424x1024xf32, #tpu.memory_space<hbm>>)
      %dma_start3A_40 = arith.constant 0 : i32
      %dma_start3A_41 = tpu.memref_slice %arg2[%add3A_15, %dma_start3A_40] : memref<8192x1024xf32, #tpu.memory_space<hbm>> -> memref<424x1024xf32, #tpu.memory_space<hbm>>
      tpu.enqueue_dma source(%dma_start3A_41 : memref<424x1024xf32, #tpu.memory_space<hbm>>) target(%arg7 : memref<424x1024xf32, #tpu.memory_space<vmem_shared>>) target_semaphore(%arg9 : memref<!tpu.dma_semaphore, #tpu.memory_space<semaphore_mem>>)
      %dma_wait3A_42 = arith.constant 0 : i32
      %dma_wait3A_43 = tpu.memref_slice %arg2[%add3A_13, %dma_wait3A_42] : memref<8192x1024xf32, #tpu.memory_space<hbm>> -> memref<424x1024xf32, #tpu.memory_space<hbm>>
      tpu.wait_dma2 semaphore(%arg8 : memref<!tpu.dma_semaphore, #tpu.memory_space<semaphore_mem>>) src(%dma_wait3A_43 : memref<424x1024xf32, #tpu.memory_space<hbm>>) dst(%arg6 : memref<424x1024xf32, #tpu.memory_space<vmem_shared>>)
      %dma_start3A_44 = arith.constant 0 : i32
      %dma_start3A_45 = tpu.memref_slice %arg3[%add3A_21, %dma_start3A_44] : memref<8192x1024xf32, #tpu.memory_space<hbm>> -> memref<424x1024xf32, #tpu.memory_space<hbm>>
      tpu.enqueue_dma source(%arg6 : memref<424x1024xf32, #tpu.memory_space<vmem_shared>>) target(%dma_start3A_45 : memref<424x1024xf32, #tpu.memory_space<hbm>>) target_semaphore(%arg10 : memref<!tpu.dma_semaphore, #tpu.memory_space<semaphore_mem>>)
      %dma_wait3A_46 = arith.constant 0 : i32
      %dma_wait3A_47 = tpu.memref_slice %arg2[%add3A_15, %dma_wait3A_46] : memref<8192x1024xf32, #tpu.memory_space<hbm>> -> memref<424x1024xf32, #tpu.memory_space<hbm>>
      tpu.wait_dma2 semaphore(%arg9 : memref<!tpu.dma_semaphore, #tpu.memory_space<semaphore_mem>>) src(%dma_wait3A_47 : memref<424x1024xf32, #tpu.memory_space<hbm>>) dst(%arg7 : memref<424x1024xf32, #tpu.memory_space<vmem_shared>>)
      %dma_start3A_48 = arith.constant 0 : i32
      %dma_start3A_49 = tpu.memref_slice %arg3[%add3A_23, %dma_start3A_48] : memref<8192x1024xf32, #tpu.memory_space<hbm>> -> memref<424x1024xf32, #tpu.memory_space<hbm>>
      tpu.enqueue_dma source(%arg7 : memref<424x1024xf32, #tpu.memory_space<vmem_shared>>) target(%dma_start3A_49 : memref<424x1024xf32, #tpu.memory_space<hbm>>) target_semaphore(%arg11 : memref<!tpu.dma_semaphore, #tpu.memory_space<semaphore_mem>>)
      %dma_wait3A_50 = arith.constant 0 : i32
      %dma_wait3A_51 = tpu.memref_slice %arg3[%add3A_21, %dma_wait3A_50] : memref<8192x1024xf32, #tpu.memory_space<hbm>> -> memref<424x1024xf32, #tpu.memory_space<hbm>>
      tpu.wait_dma2 semaphore(%arg10 : memref<!tpu.dma_semaphore, #tpu.memory_space<semaphore_mem>>) src(%arg6 : memref<424x1024xf32, #tpu.memory_space<vmem_shared>>) dst(%dma_wait3A_51 : memref<424x1024xf32, #tpu.memory_space<hbm>>)
      %dma_wait3A_52 = arith.constant 0 : i32
      %dma_wait3A_53 = tpu.memref_slice %arg3[%add3A_23, %dma_wait3A_52] : memref<8192x1024xf32, #tpu.memory_space<hbm>> -> memref<424x1024xf32, #tpu.memory_space<hbm>>
      tpu.wait_dma2 semaphore(%arg11 : memref<!tpu.dma_semaphore, #tpu.memory_space<semaphore_mem>>) src(%arg7 : memref<424x1024xf32, #tpu.memory_space<vmem_shared>>) dst(%dma_wait3A_53 : memref<424x1024xf32, #tpu.memory_space<hbm>>)
    } else {
    }
    %ne3A = arith.constant 0 : i32
    %ne3A_2 = arith.cmpi ne, %arg1, %ne3A : i32
    %convert_element_type3A_3 = arith.extui %ne3A_2 : i1 to i32
    %cond3A_4 = arith.constant 0 : i32
    %cond3A_5 = arith.cmpi ne, %convert_element_type3A_3, %cond3A_4 : i32
    scf.if %cond3A_5 {
      %sub3A = arith.constant 1 : i32
      %sub3A_6 = arith.subi %arg1, %sub3A : i32
      %mul3A = arith.constant 2 : i32
      %mul3A_7 = arith.muli %sub3A_6, %mul3A : i32
      %add3A = arith.addi %mul3A_7, %arg0 : i32
      %mul3A_8 = arith.constant 160 : i32
      %mul3A_9 = arith.muli %add3A, %mul3A_8 : i32
      %add3A_10 = arith.constant 0 : i32
      %add3A_11 = arith.addi %mul3A_9, %add3A_10 : i32
      %add3A_12 = arith.constant 32 : i32
      %add3A_13 = arith.addi %mul3A_9, %add3A_12 : i32
      %add3A_14 = arith.constant 64 : i32
      %add3A_15 = arith.addi %mul3A_9, %add3A_14 : i32
      %add3A_16 = arith.constant 96 : i32
      %add3A_17 = arith.addi %mul3A_9, %add3A_16 : i32
      %add3A_18 = arith.constant 128 : i32
      %add3A_19 = arith.addi %mul3A_9, %add3A_18 : i32
      %add3A_20 = arith.constant 0 : i32
      %add3A_21 = arith.addi %mul3A_9, %add3A_20 : i32
      %add3A_22 = arith.constant 32 : i32
      %add3A_23 = arith.addi %mul3A_9, %add3A_22 : i32
      %add3A_24 = arith.constant 64 : i32
      %add3A_25 = arith.addi %mul3A_9, %add3A_24 : i32
      %add3A_26 = arith.constant 96 : i32
      %add3A_27 = arith.addi %mul3A_9, %add3A_26 : i32
      %add3A_28 = arith.constant 128 : i32
      %add3A_29 = arith.addi %mul3A_9, %add3A_28 : i32
      %dma_start3A = arith.constant 0 : i32
      %dma_start3A_30 = tpu.memref_slice %arg2[%add3A_11, %dma_start3A] : memref<8192x1024xf32, #tpu.memory_space<hbm>> -> memref<32x1024xf32, #tpu.memory_space<hbm>>
      %dma_start3A_31 = arith.constant 0 : i32
      %dma_start3A_32 = tpu.memref_slice %arg2[%add3A_11, %dma_start3A_31] : memref<8192x1024xf32, #tpu.memory_space<hbm>> -> memref<32x1024xf32, #tpu.memory_space<hbm>>
      tpu.enqueue_dma source(%dma_start3A_32 : memref<32x1024xf32, #tpu.memory_space<hbm>>) target(%arg4 : memref<32x1024xf32, #tpu.memory_space<vmem>>) target_semaphore(%arg8 : memref<!tpu.dma_semaphore, #tpu.memory_space<semaphore_mem>>)
      %dma_start3A_33 = arith.constant 0 : i32
      %dma_start3A_34 = tpu.memref_slice %arg2[%add3A_13, %dma_start3A_33] : memref<8192x1024xf32, #tpu.memory_space<hbm>> -> memref<32x1024xf32, #tpu.memory_space<hbm>>
      %dma_start3A_35 = arith.constant 0 : i32
      %dma_start3A_36 = tpu.memref_slice %arg2[%add3A_13, %dma_start3A_35] : memref<8192x1024xf32, #tpu.memory_space<hbm>> -> memref<32x1024xf32, #tpu.memory_space<hbm>>
      tpu.enqueue_dma source(%dma_start3A_36 : memref<32x1024xf32, #tpu.memory_space<hbm>>) target(%arg5 : memref<32x1024xf32, #tpu.memory_space<vmem>>) target_semaphore(%arg9 : memref<!tpu.dma_semaphore, #tpu.memory_space<semaphore_mem>>)
      %dma_wait3A = arith.constant 0 : i32
      %dma_wait3A_37 = tpu.memref_slice %arg2[%add3A_11, %dma_wait3A] : memref<8192x1024xf32, #tpu.memory_space<hbm>> -> memref<32x1024xf32, #tpu.memory_space<hbm>>
      %dma_wait3A_38 = arith.constant 0 : i32
      %dma_wait3A_39 = tpu.memref_slice %arg2[%add3A_11, %dma_wait3A_38] : memref<8192x1024xf32, #tpu.memory_space<hbm>> -> memref<32x1024xf32, #tpu.memory_space<hbm>>
      tpu.wait_dma2 semaphore(%arg8 : memref<!tpu.dma_semaphore, #tpu.memory_space<semaphore_mem>>) src(%dma_wait3A_39 : memref<32x1024xf32, #tpu.memory_space<hbm>>) dst(%arg4 : memref<32x1024xf32, #tpu.memory_space<vmem>>)
      %dma_start3A_40 = arith.constant 0 : i32
      %dma_start3A_41 = tpu.memref_slice %arg3[%add3A_21, %dma_start3A_40] : memref<8192x1024xf32, #tpu.memory_space<hbm>> -> memref<32x1024xf32, #tpu.memory_space<hbm>>
      %dma_start3A_42 = arith.constant 0 : i32
      %dma_start3A_43 = tpu.memref_slice %arg3[%add3A_21, %dma_start3A_42] : memref<8192x1024xf32, #tpu.memory_space<hbm>> -> memref<32x1024xf32, #tpu.memory_space<hbm>>
      tpu.enqueue_dma source(%arg4 : memref<32x1024xf32, #tpu.memory_space<vmem>>) target(%dma_start3A_43 : memref<32x1024xf32, #tpu.memory_space<hbm>>) target_semaphore(%arg10 : memref<!tpu.dma_semaphore, #tpu.memory_space<semaphore_mem>>)
      %dma_wait3A_44 = arith.constant 0 : i32
      %dma_wait3A_45 = tpu.memref_slice %arg3[%add3A_21, %dma_wait3A_44] : memref<8192x1024xf32, #tpu.memory_space<hbm>> -> memref<32x1024xf32, #tpu.memory_space<hbm>>
      %dma_wait3A_46 = arith.constant 0 : i32
      %dma_wait3A_47 = tpu.memref_slice %arg3[%add3A_21, %dma_wait3A_46] : memref<8192x1024xf32, #tpu.memory_space<hbm>> -> memref<32x1024xf32, #tpu.memory_space<hbm>>
      tpu.wait_dma2 semaphore(%arg10 : memref<!tpu.dma_semaphore, #tpu.memory_space<semaphore_mem>>) src(%arg4 : memref<32x1024xf32, #tpu.memory_space<vmem>>) dst(%dma_wait3A_47 : memref<32x1024xf32, #tpu.memory_space<hbm>>)
      %dma_start3A_48 = arith.constant 0 : i32
      %dma_start3A_49 = tpu.memref_slice %arg2[%add3A_15, %dma_start3A_48] : memref<8192x1024xf32, #tpu.memory_space<hbm>> -> memref<32x1024xf32, #tpu.memory_space<hbm>>
      %dma_start3A_50 = arith.constant 0 : i32
      %dma_start3A_51 = tpu.memref_slice %arg2[%add3A_15, %dma_start3A_50] : memref<8192x1024xf32, #tpu.memory_space<hbm>> -> memref<32x1024xf32, #tpu.memory_space<hbm>>
      tpu.enqueue_dma source(%dma_start3A_51 : memref<32x1024xf32, #tpu.memory_space<hbm>>) target(%arg4 : memref<32x1024xf32, #tpu.memory_space<vmem>>) target_semaphore(%arg8 : memref<!tpu.dma_semaphore, #tpu.memory_space<semaphore_mem>>)
      %dma_wait3A_52 = arith.constant 0 : i32
      %dma_wait3A_53 = tpu.memref_slice %arg2[%add3A_13, %dma_wait3A_52] : memref<8192x1024xf32, #tpu.memory_space<hbm>> -> memref<32x1024xf32, #tpu.memory_space<hbm>>
      %dma_wait3A_54 = arith.constant 0 : i32
      %dma_wait3A_55 = tpu.memref_slice %arg2[%add3A_13, %dma_wait3A_54] : memref<8192x1024xf32, #tpu.memory_space<hbm>> -> memref<32x1024xf32, #tpu.memory_space<hbm>>
      tpu.wait_dma2 semaphore(%arg9 : memref<!tpu.dma_semaphore, #tpu.memory_space<semaphore_mem>>) src(%dma_wait3A_55 : memref<32x1024xf32, #tpu.memory_space<hbm>>) dst(%arg5 : memref<32x1024xf32, #tpu.memory_space<vmem>>)
      %dma_start3A_56 = arith.constant 0 : i32
      %dma_start3A_57 = tpu.memref_slice %arg3[%add3A_23, %dma_start3A_56] : memref<8192x1024xf32, #tpu.memory_space<hbm>> -> memref<32x1024xf32, #tpu.memory_space<hbm>>
      %dma_start3A_58 = arith.constant 0 : i32
      %dma_start3A_59 = tpu.memref_slice %arg3[%add3A_23, %dma_start3A_58] : memref<8192x1024xf32, #tpu.memory_space<hbm>> -> memref<32x1024xf32, #tpu.memory_space<hbm>>
      tpu.enqueue_dma source(%arg5 : memref<32x1024xf32, #tpu.memory_space<vmem>>) target(%dma_start3A_59 : memref<32x1024xf32, #tpu.memory_space<hbm>>) target_semaphore(%arg11 : memref<!tpu.dma_semaphore, #tpu.memory_space<semaphore_mem>>)
      %dma_wait3A_60 = arith.constant 0 : i32
      %dma_wait3A_61 = tpu.memref_slice %arg3[%add3A_23, %dma_wait3A_60] : memref<8192x1024xf32, #tpu.memory_space<hbm>> -> memref<32x1024xf32, #tpu.memory_space<hbm>>
      %dma_wait3A_62 = arith.constant 0 : i32
      %dma_wait3A_63 = tpu.memref_slice %arg3[%add3A_23, %dma_wait3A_62] : memref<8192x1024xf32, #tpu.memory_space<hbm>> -> memref<32x1024xf32, #tpu.memory_space<hbm>>
      tpu.wait_dma2 semaphore(%arg11 : memref<!tpu.dma_semaphore, #tpu.memory_space<semaphore_mem>>) src(%arg5 : memref<32x1024xf32, #tpu.memory_space<vmem>>) dst(%dma_wait3A_63 : memref<32x1024xf32, #tpu.memory_space<hbm>>)
      %dma_start3A_64 = arith.constant 0 : i32
      %dma_start3A_65 = tpu.memref_slice %arg2[%add3A_17, %dma_start3A_64] : memref<8192x1024xf32, #tpu.memory_space<hbm>> -> memref<32x1024xf32, #tpu.memory_space<hbm>>
      %dma_start3A_66 = arith.constant 0 : i32
      %dma_start3A_67 = tpu.memref_slice %arg2[%add3A_17, %dma_start3A_66] : memref<8192x1024xf32, #tpu.memory_space<hbm>> -> memref<32x1024xf32, #tpu.memory_space<hbm>>
      tpu.enqueue_dma source(%dma_start3A_67 : memref<32x1024xf32, #tpu.memory_space<hbm>>) target(%arg5 : memref<32x1024xf32, #tpu.memory_space<vmem>>) target_semaphore(%arg9 : memref<!tpu.dma_semaphore, #tpu.memory_space<semaphore_mem>>)
      %dma_wait3A_68 = arith.constant 0 : i32
      %dma_wait3A_69 = tpu.memref_slice %arg2[%add3A_15, %dma_wait3A_68] : memref<8192x1024xf32, #tpu.memory_space<hbm>> -> memref<32x1024xf32, #tpu.memory_space<hbm>>
      %dma_wait3A_70 = arith.constant 0 : i32
      %dma_wait3A_71 = tpu.memref_slice %arg2[%add3A_15, %dma_wait3A_70] : memref<8192x1024xf32, #tpu.memory_space<hbm>> -> memref<32x1024xf32, #tpu.memory_space<hbm>>
      tpu.wait_dma2 semaphore(%arg8 : memref<!tpu.dma_semaphore, #tpu.memory_space<semaphore_mem>>) src(%dma_wait3A_71 : memref<32x1024xf32, #tpu.memory_space<hbm>>) dst(%arg4 : memref<32x1024xf32, #tpu.memory_space<vmem>>)
      %dma_start3A_72 = arith.constant 0 : i32
      %dma_start3A_73 = tpu.memref_slice %arg3[%add3A_25, %dma_start3A_72] : memref<8192x1024xf32, #tpu.memory_space<hbm>> -> memref<32x1024xf32, #tpu.memory_space<hbm>>
      %dma_start3A_74 = arith.constant 0 : i32
      %dma_start3A_75 = tpu.memref_slice %arg3[%add3A_25, %dma_start3A_74] : memref<8192x1024xf32, #tpu.memory_space<hbm>> -> memref<32x1024xf32, #tpu.memory_space<hbm>>
      tpu.enqueue_dma source(%arg4 : memref<32x1024xf32, #tpu.memory_space<vmem>>) target(%dma_start3A_75 : memref<32x1024xf32, #tpu.memory_space<hbm>>) target_semaphore(%arg10 : memref<!tpu.dma_semaphore, #tpu.memory_space<semaphore_mem>>)
      %dma_wait3A_76 = arith.constant 0 : i32
      %dma_wait3A_77 = tpu.memref_slice %arg3[%add3A_25, %dma_wait3A_76] : memref<8192x1024xf32, #tpu.memory_space<hbm>> -> memref<32x1024xf32, #tpu.memory_space<hbm>>
      %dma_wait3A_78 = arith.constant 0 : i32
      %dma_wait3A_79 = tpu.memref_slice %arg3[%add3A_25, %dma_wait3A_78] : memref<8192x1024xf32, #tpu.memory_space<hbm>> -> memref<32x1024xf32, #tpu.memory_space<hbm>>
      tpu.wait_dma2 semaphore(%arg10 : memref<!tpu.dma_semaphore, #tpu.memory_space<semaphore_mem>>) src(%arg4 : memref<32x1024xf32, #tpu.memory_space<vmem>>) dst(%dma_wait3A_79 : memref<32x1024xf32, #tpu.memory_space<hbm>>)
      %dma_start3A_80 = arith.constant 0 : i32
      %dma_start3A_81 = tpu.memref_slice %arg2[%add3A_19, %dma_start3A_80] : memref<8192x1024xf32, #tpu.memory_space<hbm>> -> memref<32x1024xf32, #tpu.memory_space<hbm>>
      %dma_start3A_82 = arith.constant 0 : i32
      %dma_start3A_83 = tpu.memref_slice %arg2[%add3A_19, %dma_start3A_82] : memref<8192x1024xf32, #tpu.memory_space<hbm>> -> memref<32x1024xf32, #tpu.memory_space<hbm>>
      tpu.enqueue_dma source(%dma_start3A_83 : memref<32x1024xf32, #tpu.memory_space<hbm>>) target(%arg4 : memref<32x1024xf32, #tpu.memory_space<vmem>>) target_semaphore(%arg8 : memref<!tpu.dma_semaphore, #tpu.memory_space<semaphore_mem>>)
      %dma_wait3A_84 = arith.constant 0 : i32
      %dma_wait3A_85 = tpu.memref_slice %arg2[%add3A_17, %dma_wait3A_84] : memref<8192x1024xf32, #tpu.memory_space<hbm>> -> memref<32x1024xf32, #tpu.memory_space<hbm>>
      %dma_wait3A_86 = arith.constant 0 : i32
      %dma_wait3A_87 = tpu.memref_slice %arg2[%add3A_17, %dma_wait3A_86] : memref<8192x1024xf32, #tpu.memory_space<hbm>> -> memref<32x1024xf32, #tpu.memory_space<hbm>>
      tpu.wait_dma2 semaphore(%arg9 : memref<!tpu.dma_semaphore, #tpu.memory_space<semaphore_mem>>) src(%dma_wait3A_87 : memref<32x1024xf32, #tpu.memory_space<hbm>>) dst(%arg5 : memref<32x1024xf32, #tpu.memory_space<vmem>>)
      %dma_start3A_88 = arith.constant 0 : i32
      %dma_start3A_89 = tpu.memref_slice %arg3[%add3A_27, %dma_start3A_88] : memref<8192x1024xf32, #tpu.memory_space<hbm>> -> memref<32x1024xf32, #tpu.memory_space<hbm>>
      %dma_start3A_90 = arith.constant 0 : i32
      %dma_start3A_91 = tpu.memref_slice %arg3[%add3A_27, %dma_start3A_90] : memref<8192x1024xf32, #tpu.memory_space<hbm>> -> memref<32x1024xf32, #tpu.memory_space<hbm>>
      tpu.enqueue_dma source(%arg5 : memref<32x1024xf32, #tpu.memory_space<vmem>>) target(%dma_start3A_91 : memref<32x1024xf32, #tpu.memory_space<hbm>>) target_semaphore(%arg11 : memref<!tpu.dma_semaphore, #tpu.memory_space<semaphore_mem>>)
      %dma_wait3A_92 = arith.constant 0 : i32
      %dma_wait3A_93 = tpu.memref_slice %arg2[%add3A_19, %dma_wait3A_92] : memref<8192x1024xf32, #tpu.memory_space<hbm>> -> memref<32x1024xf32, #tpu.memory_space<hbm>>
      %dma_wait3A_94 = arith.constant 0 : i32
      %dma_wait3A_95 = tpu.memref_slice %arg2[%add3A_19, %dma_wait3A_94] : memref<8192x1024xf32, #tpu.memory_space<hbm>> -> memref<32x1024xf32, #tpu.memory_space<hbm>>
      tpu.wait_dma2 semaphore(%arg8 : memref<!tpu.dma_semaphore, #tpu.memory_space<semaphore_mem>>) src(%dma_wait3A_95 : memref<32x1024xf32, #tpu.memory_space<hbm>>) dst(%arg4 : memref<32x1024xf32, #tpu.memory_space<vmem>>)
      %dma_start3A_96 = arith.constant 0 : i32
      %dma_start3A_97 = tpu.memref_slice %arg3[%add3A_29, %dma_start3A_96] : memref<8192x1024xf32, #tpu.memory_space<hbm>> -> memref<32x1024xf32, #tpu.memory_space<hbm>>
      %dma_start3A_98 = arith.constant 0 : i32
      %dma_start3A_99 = tpu.memref_slice %arg3[%add3A_29, %dma_start3A_98] : memref<8192x1024xf32, #tpu.memory_space<hbm>> -> memref<32x1024xf32, #tpu.memory_space<hbm>>
      tpu.enqueue_dma source(%arg4 : memref<32x1024xf32, #tpu.memory_space<vmem>>) target(%dma_start3A_99 : memref<32x1024xf32, #tpu.memory_space<hbm>>) target_semaphore(%arg10 : memref<!tpu.dma_semaphore, #tpu.memory_space<semaphore_mem>>)
      %dma_wait3A_100 = arith.constant 0 : i32
      %dma_wait3A_101 = tpu.memref_slice %arg3[%add3A_27, %dma_wait3A_100] : memref<8192x1024xf32, #tpu.memory_space<hbm>> -> memref<32x1024xf32, #tpu.memory_space<hbm>>
      %dma_wait3A_102 = arith.constant 0 : i32
      %dma_wait3A_103 = tpu.memref_slice %arg3[%add3A_27, %dma_wait3A_102] : memref<8192x1024xf32, #tpu.memory_space<hbm>> -> memref<32x1024xf32, #tpu.memory_space<hbm>>
      tpu.wait_dma2 semaphore(%arg11 : memref<!tpu.dma_semaphore, #tpu.memory_space<semaphore_mem>>) src(%arg5 : memref<32x1024xf32, #tpu.memory_space<vmem>>) dst(%dma_wait3A_103 : memref<32x1024xf32, #tpu.memory_space<hbm>>)
      %dma_wait3A_104 = arith.constant 0 : i32
      %dma_wait3A_105 = tpu.memref_slice %arg3[%add3A_29, %dma_wait3A_104] : memref<8192x1024xf32, #tpu.memory_space<hbm>> -> memref<32x1024xf32, #tpu.memory_space<hbm>>
      %dma_wait3A_106 = arith.constant 0 : i32
      %dma_wait3A_107 = tpu.memref_slice %arg3[%add3A_29, %dma_wait3A_106] : memref<8192x1024xf32, #tpu.memory_space<hbm>> -> memref<32x1024xf32, #tpu.memory_space<hbm>>
      tpu.wait_dma2 semaphore(%arg10 : memref<!tpu.dma_semaphore, #tpu.memory_space<semaphore_mem>>) src(%arg4 : memref<32x1024xf32, #tpu.memory_space<vmem>>) dst(%dma_wait3A_107 : memref<32x1024xf32, #tpu.memory_space<hbm>>)
    } else {
    }
    return
  }
}

</mosaic_0001>

<sc_bundles>
// kernel: kernel.3.cloned.1.call-start
scs
__scs_entry_jumppad:
0x0: {  	(pc) =	sbr.rel $0x88, $3  }
0x1: {  	(tag) =	ssettag $0x0;
	lr =	simm.s32 $0x1  }
0x2: {  	[smem:$0x3FA0] =	sst lr;
	_ =	strace $0xD0000000  }
0x3: {  	_ = 	snop  }
0x4: {  	_ = 	snop  }
0x5: {  	_ = 	snop  }
0x6: {  	_ = 	snop  }
0x7: {  	_ = 	snop  }
__scs_overlays_trampoline_lowered:
0x8: {  	[smem:$0x3FAF] =	sst s0  }
0x9: {  	[smem:$0x3FB0] =	sst s1  }
0xa: {  	[smem:$0x3FB1] =	sst s2  }
0xb: {  	[smem:$0x3FB2] =	sst s3  }
0xc: {  	[smem:$0x3FB3] =	sst s4  }
0xd: {  	[smem:$0x3FB4] =	sst s5  }
0xe: {  	[smem:$0x3FB5] =	sst s6  }
0xf: {  	[smem:$0x3FB6] =	sst s7  }
0x10: {  	[smem:$0x3FB7] =	sst s8  }
0x11: {  	[smem:$0x3FB8] =	sst s9;
	s0 =	simm.s32 @!p0 $0x0  }
0x12: {  	s1 =	sld [smem:$0x3F9E];
	s0 =	simm.s32 @p0 $0x1  }
0x13: {  	[smem:$0x3FB9] =	sst s0;
	s0 =	simm.s32 @!p1 $0x0  }
0x14: {  	s2 =	sld [smem:$0x3F9D];
	s0 =	simm.s32 @p1 $0x1  }
0x15: {  	[smem:$0x3FBA] =	sst s0;
	s0 =	simm.s32 @!p2 $0x0  }
0x16: {  	s3 =	sld [smem:$0x3FDB];
	s0 =	simm.s32 @p2 $0x1  }
0x17: {  	s4 =	simm.s32 $0x1BF5;
	[smem:$0x3FBC] =	sst s0  }
0x18: {  	s0 =	sld [smem:$0x3F9F];
	_ =	swait.ge [sflag:s4], $0x0  }
0x19: {  	s7 =	sld [smem:$0x3FA0]  }
0x1a: {  	s8 =	sadd.s32 $0xFFFFE003, lr  }
0x1b: {  	s9 =	sadd.s32 $0xFFFFFEF7, lr;
	s5 =	simm.s32 $0xFFFFFFFF;
	p2 =	slt.u32 s8, $0xFFFFF086  }
0x1c: {  	p1 =	slt.u32 s9, $0xF7A;
	s5 =	simm.s32 @!p2 $0x0  }
0x1d: {  	s5 =	simm.s32 @p1 $0x1;
	p0 =	seq.s32 s7, s2  }
0x1e: {  	s7 =	smul.u32 @!p0 $0xF7A, s2;
	p2 =	seq.s32 @!p0 s5, $0x0  }
0x1f: {  	s9 =	smul.u32 $0xF7A, s1;
	s8 =	simm.s32 @!p0 $0x1BF5;
	p2 =	por !p2, p0  }
0x20: {  	[sflag:s8] =	ssyncset.s32 @!p0 $0xFFFFF086;
	s6 =	sadd.s32 @!p0 s3, s7;
	s7 =	simm.s32 @!p0 $0x108  }
0x21: {  	s3 =	sadd.s32 s3, s9;
	s6 =	sadd.s32 @!p0 $0x88, s6;
	s7 =	simm.s32 @p2 $0x1082  }
0x22: {  	[simem:s7], [sflag:s8] =	dma.local @!p0 [hbm:s6], $0xF7A  }
0x23: {  	s9 =	sor.u32 $0xD0000000, s2;
	s6 =	simm.s32 $0x108;
	_ =	swait.ge @!p0 [sflag:s8], $0x0  }
0x24: {  	s3 =	sadd.s32 $0x88, s3;
	s6 =	simm.s32 @!p1 $0x1082;
	[sflag:s4] =	ssyncset.s32 $0xFFFFF086  }
0x25: {  	[simem:s6], [sflag:s4] =	dma.local [hbm:s3], $0xF7A  }
0x26: {  	[smem:$0x3FA0] =	sst s1;
	(tag) =	ssettag s2;
	_ =	strace s9  }
0x27: {  	s1 =	sld [smem:$0x3FB0]  }
0x28: {  	s2 =	sld [smem:$0x3FB1]  }
0x29: {  	s4 =	sld [smem:$0x3FB3]  }
0x2a: {  	p0 =	seq.s32 s5, $0x0;
	s5 =	sld [smem:$0x3FB4]  }
0x2b: {  	s6 =	sld [smem:$0x3FB5]  }
0x2c: {  	s7 =	sld [smem:$0x3FB6]  }
0x2d: {  	s3 =	simm.s32 $0x108;
	s8 =	sld [smem:$0x3FB7]  }
0x2e: {  	s3 =	simm.s32 @!p0 $0x1082;
	s9 =	sld [smem:$0x3FB8]  }
0x2f: {  	lr =	sadd.s32 s0, s3;
	s0 =	sld [smem:$0x3FAF]  }
0x30: {  	s3 =	sld [smem:$0x3FB2]  }
0x31: {  	[smem:$0x3FBB] =	sst s10  }
0x32: {  	s10 =	sld [smem:$0x3FB9];
	_ =	sdelay $0x3  }
0x33: {  	p0 =	seq.s32 s10, $0x1;
	s10 =	sld [smem:$0x3FBB];
	_ =	sdelay $0x3  }
0x34: {  	[smem:$0x3FBB] =	sst s10  }
0x35: {  	s10 =	sld [smem:$0x3FBA];
	_ =	sdelay $0x3  }
0x36: {  	p1 =	seq.s32 s10, $0x1;
	s10 =	sld [smem:$0x3FBB];
	_ =	sdelay $0x3  }
0x37: {  	[smem:$0x3FBB] =	sst s10  }
0x38: {  	s10 =	sld [smem:$0x3FBC]  }
0x39: {  	_ = 	snop;
	(pc) =	sbr.ind lr, $3  }
0x3a: {  	_ = 	snop  }
0x3b: {  	_ = 	snop  }
0x3c: {  	p2 =	seq.s32 s10, $0x1;
	s10 =	sld [smem:$0x3FBB]  }
0x3d: {  	_ =	shalt  }
0x3e: {  	_ =	shalt  }
0x3f: {  	_ =	shalt  }
0x40: {  	_ =	shalt  }
0x41: {  	_ =	shalt  }
0x42: {  	_ =	shalt  }
0x43: {  	_ =	shalt  }
0x44: {  	_ =	shalt  }
0x45: {  	_ =	shalt  }
0x46: {  	_ =	shalt  }
0x47: {  	_ =	shalt  }
0x48: {  	_ =	shalt  }
0x49: {  	_ =	shalt  }
0x4a: {  	_ =	shalt  }
0x4b: {  	_ =	shalt  }
0x4c: {  	_ =	shalt  }
0x4d: {  	_ =	shalt  }
0x4e: {  	_ =	shalt  }
0x4f: {  	_ =	shalt  }
0x50: {  	_ =	shalt  }
0x51: {  	_ =	shalt  }
0x52: {  	_ =	shalt  }
0x53: {  	_ =	shalt  }
0x54: {  	_ =	shalt  }
0x55: {  	_ =	shalt  }
0x56: {  	_ =	shalt  }
0x57: {  	_ =	shalt  }
0x58: {  	_ =	shalt  }
0x59: {  	_ =	shalt  }
0x5a: {  	_ =	shalt  }
0x5b: {  	_ =	shalt  }
0x5c: {  	_ =	shalt  }
0x5d: {  	_ =	shalt  }
0x5e: {  	_ =	shalt  }
0x5f: {  	_ =	shalt  }
0x60: {  	_ =	shalt  }
0x61: {  	_ =	shalt  }
0x62: {  	_ =	shalt  }
0x63: {  	_ =	shalt  }
0x64: {  	_ =	shalt  }
0x65: {  	_ =	shalt  }
0x66: {  	_ =	shalt  }
0x67: {  	_ =	shalt  }
0x68: {  	_ =	shalt  }
0x69: {  	_ =	shalt  }
0x6a: {  	_ =	shalt  }
0x6b: {  	_ =	shalt  }
0x6c: {  	_ =	shalt  }
0x6d: {  	_ =	shalt  }
0x6e: {  	_ =	shalt  }
0x6f: {  	_ =	shalt  }
0x70: {  	_ =	shalt  }
0x71: {  	_ =	shalt  }
0x72: {  	_ =	shalt  }
0x73: {  	_ =	shalt  }
0x74: {  	_ =	shalt  }
0x75: {  	_ =	shalt  }
0x76: {  	_ =	shalt  }
0x77: {  	_ =	shalt  }
0x78: {  	_ =	shalt  }
0x79: {  	_ =	shalt  }
0x7a: {  	_ =	shalt  }
0x7b: {  	_ =	shalt  }
0x7c: {  	_ =	shalt  }
0x7d: {  	_ =	shalt  }
0x7e: {  	_ =	shalt  }
0x7f: {  	_ =	shalt  }
0x80: {  	_ =	shalt  }
0x81: {  	_ =	shalt  }
0x82: {  	_ =	shalt  }
0x83: {  	_ =	shalt  }
0x84: {  	_ =	shalt  }
0x85: {  	_ =	shalt  }
0x86: {  	_ =	shalt  }
0x87: {  	_ =	shalt  }
.Lfunc_end0:
.L_simem_size_0:
called_computation_lowered:
.L_overlay_start_0:
0x88: {  	s2 =	sld [smem:$0x3FD9]  }
0x89: {  	s3 =	sld [smem:$0x3FFE];
	_ =	sdelay $0x1  }
0x8a: {  	s1 =	srdreg.scid  }
0x8b: {  	s0 =	sand.u32 $0x1, s1  }
0x8c: {  	s18 =	sshll.u32 s0, $0xA;
	s2 =	sadd.s32 s3, s2  }
0x8d: {  	s2 =	sadd.s32 s2, s18  }
0x8e: {  	[smem:$0x3FC7] =	sst s2  }
0x8f: {  	_ = 	snop  }
0x90: {  	s2 =	sld [smem:$0x3FC9]  }
0x91: {  	s19 =	sld [smem:$0x3FD0];
	(tm) =	ssettm $0x1  }
0x92: {  	s4 =	sld [smem:$0x3FFB];
	_ =	sdelay $0x3  }
0x93: {  	_ =	strace s4  }
0x94: {  	s4 =	sld [smem:$0x3FFC];
	_ =	sdelay $0x3  }
0x95: {  	_ =	strace s4  }
0x96: {  	s4 =	sld [smem:$0x3FFD];
	_ =	sdelay $0x3  }
0x97: {  	_ =	strace s4  }
0x98: {  	_ =	strace $0x8FFFFFFF  }
0x99: {  	s20 =	sld [smem:$0x3FDB];
	_ =	sdelay $0x1  }
0x9a: {  	s5 =	simm.s32 $_scs_section_size  }
0x9b: {  	s6 =	simm.s32 $_size__tile_overlayer_lowered;
	s7 =	simm.s32 $_tile_overlayer_lowered  }
0x9c: {  	s23 =	simm.s32 $0x1BFF;
	s22 =	sshll.u32 s7, $0x1;
	s4 =	sadd.s32 s5, s20  }
0x9d: {  	s8 =	simm.s32 $0x0;
	s21 =	sshll.u32 s6, $0x1;
	s6 =	sadd.s32 s22, s4  }
0x9e: {  	[timem:s8], [sflag:s23] =	dma.local [hbm:s6], s21  }
0x9f: {  	_ =	swait.ge [sflag:s23], s21  }
0xa0: {  	s5 =	ssub.s32 $0x0, s21;
	[sflag:s23] =	ssyncset.done $0x0  }
0xa1: {  	[sflag:s23] =	ssyncadd.s32 s5;
	_ =	sdelay $0x1  }
0xa2: {  	s24 =	simm.s32 $0x1B8B  }
0xa3: {  	_ =	swait.ge [sflag:s24], $0x1  }
0xa4: {  	[sflag:s24] =	ssyncset.done $0x0  }
0xa5: {  	s25 =	simm.s32 $0x1B8E;
	[sflag:s24] =	ssyncadd.s32 $0xFFFFFFFF  }
0xa6: {  	s26 =	simm.s32 $execute0_lowered;
	[smem:$0x3FD2] =	sst s25  }
0xa7: {  	s5 =	sshll.u32 s26, $0x1;
	_ =	strace $0x80000046;
	[dreg:$0x1] =	wrdreg $0xFFFFFFFF  }
0xa8: {  	s28 =	simm.s32 $_size_execute0_lowered;
	s4 =	sadd.s32 s4, s5;
	[dreg:$0x0] =	wrdreg $0x0  }
0xa9: {  	s5 =	sshll.u32 s28, $0x1;
	[dreg:$0x2] =	wrdreg s4  }
0xaa: {  	[dreg:$0x3] =	wrdreg s5  }
0xab: {  	[dreg:$0x4] =	wrdreg $0xC0  }
0xac: {  	_ =	task [dreg:s8], $0x5FFFF  }
0xad: {  	[dreg:$0x1] =	wrdreg $0xFFFFFFFF  }
0xae: {  	[dreg:$0x0] =	wrdreg $0x60  }
0xaf: {  	[dreg:$0x2] =	wrdreg s2  }
0xb0: {  	[dreg:$0x3] =	wrdreg s19  }
0xb1: {  	[dreg:$0x4] =	wrdreg $0x100000  }
0xb2: {  	[dreg:$0x5] =	wrdreg $0x16A000  }
0xb3: {  	[dreg:$0x6] =	wrdreg $0x9  }
0xb4: {  	_ =	task.clear_ibuf [dreg:s8], $0x7FFFF;
	_ =	strace $0x90000046  }
0xb5: {  	s29 =	simm.s32 $0x9;
	_ =	strace $0x80000048  }
0xb6: {  	_ =	swait.ge [sflag:s29], $0x1  }
0xb7: {  	[sflag:s29] =	ssyncadd.s32 $0xFFFFFFFF  }
0xb8: {  	_ =	strace $0x90000048  }
0xb9: {  	_ =	sfence  }
0xba: {  	s30 =	sld [smem:$0x0];
	_ =	sdelay $0x2  }
0xbb: {  	s31 =	sshll.u32 s1, $0xD;
	s1 =	sshrl.u32 s1, $0x2  }
0xbc: {  	s3 =	sand.u32 $0x4000, s31;
	s1 =	sadd.s32 s1, s30  }
0xbd: {  	s0 =	sor.u32 s3, s0;
	s1 =	sshll.u32 s1, $0x11  }
0xbe: {  	s0 =	sor.u32 s1, s0  }
0xbf: {  	s0 =	sadd.s32 $0x8F2B, s0  }
0xc0: {  	[sflag:s0] =	ssyncadd.remote.s32 $0x1  }
0xc1: {  	_ =	sfence.sel $0xFFFF  }
0xc2: {  	[dreg:$0x0] =	wrdreg $0xFFFFFFFF;
	(pc) =	sbr.abs _section_cstart, $3  }
0xc3: {  	[dreg:$0x1] =	wrdreg $0xFFFFFFFF  }
0xc4: {  	_ =	task.clear_ibuf [dreg:s8], $0x2FFFF;
	_ =	strace $0x9FFFFFFF  }
0xc5: {  	(tm) =	ssettm $0x7FFFFFFF  }
tec
execute0_lowered:
.L_overlay_start_1:
0x0: {  	(tag) =	ssettag $0x1  }
0x1: {  	s13 =	srdreg.scid;
	s1 =	stileid.u32  }
0x2: {  	s2 =	sshll.u32 s1, $0x1;
	s3 =	sor.u32 $0x1FFFE, s13  }
0x3: {  	s30 =	rddreg [dreg:$0x0];
	s2 =	sadd.s32 s3, s2  }
0x4: {  	s5 =	rddreg [dreg:$0x1];
	s11 =	smul.u32 $0x28000, s2  }
0x5: {  	s16 =	rddreg [dreg:$0x2];
	s22 =	simm.s32 $0x0  }
0x6: {  	[smem:$0x7FF] =	sst s22;
	s23 =	sshrl.u32 s11, $0x3  }
0x7: {  	s17 =	rddreg [dreg:$0x3];
	_ =	strace $0x80000047;
	s24 =	sadd.s32 s30, s23  }
0x8: {  	s4 =	sadd.s32 $0x8000, s11;
	s2 =	sadd.s32 s5, s23;
	[dreg:$0x5] =	wrdreg s24  }
0x9: {  	s7 =	sshrl.u32 s4, $0x3;
	[dreg:$0x7] =	wrdreg s2  }
0xa: {  	p0 =	sne.s32 s1, $0x0;
	s25 =	sadd.s32 s30, s7;
	s4 =	rddreg [dreg:$0x5]  }
0xb: {  	s1 =	simm.s32 @p0 $0x0;
	[dreg:$0x6] =	wrdreg s25  }
0xc: {  	[tilespmem:s1], [sflag:$0x1] =	stream.linear.gather @p0 [hbm4b:s4+s1], $0x8000, $0x38;
	[tilespmem:$0x1D400] =	vst v63  }
0xd: {  	s3 =	simm.s32 @p0 $0x1;
	s2 =	simm.s32 @p0 $0x8000;
	s6 =	rddreg [dreg:$0x6]  }
0xe: {  	[tilespmem:s2], [sflag:$0x2] =	stream.linear.gather @p0 [hbm4b:s6+s1], $0x8000, $0x38;
	[tilespmem:$0x1D400] =	vst v63  }
0xf: {  	_ =	swait.ge @p0 [sflag:s3], $0x8000  }
0x10: {  	s26 =	sadd.s32 $0x10000, s11;
	[sflag:s3] =	ssyncset.done @p0 $0x0  }
0x11: {  	s4 =	simm.s32 @p0 $0x3;
	s6 =	rddreg [dreg:$0x7];
	[sflag:s3] =	ssyncadd.s32 @p0 $0xFFFF8000  }
0x12: {  	[hbm4b:s6+s1] =	stream.linear.scatter @p0 [tilespmem:s1], [sflag:$0x3], $0x8000, $0x38;
	[tilespmem:$0x1D400] =	vst v63  }
0x13: {  	s10 =	sshrl.u32 s26, $0x3;
	_ =	swait.ge @p0 [sflag:s4], $0x8000  }
0x14: {  	s0 =	sadd.s32 s30, s10;
	[sflag:s4] =	ssyncset.done @p0 $0x0  }
0x15: {  	s6 =	simm.s32 @p0 $0x2;
	[dreg:$0x8] =	wrdreg s0;
	[sflag:s4] =	ssyncadd.s32 @p0 $0xFFFF8000  }
0x16: {  	[tilespmem:s1], [sflag:$0x1] =	stream.linear.gather @p0 [hbm4b:s0+s1], $0x8000, $0x38;
	[tilespmem:$0x1D400] =	vst v63  }
0x17: {  	_ =	swait.ge @p0 [sflag:s6], $0x8000  }
0x18: {  	s8 =	simm.s32 @p0 $0x4;
	s0 =	sadd.s32 s5, s7;
	[sflag:s6] =	ssyncset.done @p0 $0x0  }
0x19: {  	s9 =	sadd.s32 $0x18000, s11;
	[dreg:$0x9] =	wrdreg s0;
	[sflag:s6] =	ssyncadd.s32 @p0 $0xFFFF8000  }
0x1a: {  	[hbm4b:s0+s1] =	stream.linear.scatter @p0 [tilespmem:s2], [sflag:$0x4], $0x8000, $0x38;
	[tilespmem:$0x1D400] =	vst v63  }
0x1b: {  	s12 =	sshrl.u32 s9, $0x3;
	_ =	swait.ge @p0 [sflag:s8], $0x8000  }
0x1c: {  	s0 =	sadd.s32 s30, s12;
	[sflag:s8] =	ssyncset.done @p0 $0x0  }
0x1d: {  	[dreg:$0xa] =	wrdreg s0;
	[sflag:s8] =	ssyncadd.s32 @p0 $0xFFFF8000  }
0x1e: {  	[tilespmem:s2], [sflag:$0x2] =	stream.linear.gather @p0 [hbm4b:s0+s1], $0x8000, $0x38;
	[tilespmem:$0x1D400] =	vst v63  }
0x1f: {  	_ =	swait.ge @p0 [sflag:s3], $0x8000  }
0x20: {  	[sflag:s3] =	ssyncset.done @p0 $0x0  }
0x21: {  	s10 =	sadd.s32 s5, s10;
	[sflag:s3] =	ssyncadd.s32 @p0 $0xFFFF8000  }
0x22: {  	[hbm4b:s10+s1] =	stream.linear.scatter @p0 [tilespmem:s1], [sflag:$0x3], $0x8000, $0x38;
	[tilespmem:$0x1D400] =	vst v63  }
0x23: {  	s11 =	sadd.s32 $0x20000, s11;
	_ =	swait.ge @p0 [sflag:s4], $0x8000  }
0x24: {  	s14 =	sshrl.u32 s11, $0x3;
	[sflag:s4] =	ssyncset.done @p0 $0x0  }
0x25: {  	s11 =	sadd.s32 s30, s14;
	[sflag:s4] =	ssyncadd.s32 @p0 $0xFFFF8000  }
0x26: {  	[tilespmem:s1], [sflag:$0x1] =	stream.linear.gather @p0 [hbm4b:s11+s1], $0x8000, $0x38;
	[tilespmem:$0x1D400] =	vst v63  }
0x27: {  	_ =	swait.ge @p0 [sflag:s6], $0x8000  }
0x28: {  	[sflag:s6] =	ssyncset.done @p0 $0x0  }
0x29: {  	s12 =	sadd.s32 s5, s12;
	[sflag:s6] =	ssyncadd.s32 @p0 $0xFFFF8000  }
0x2a: {  	[hbm4b:s12+s1] =	stream.linear.scatter @p0 [tilespmem:s2], [sflag:$0x4], $0x8000, $0x38;
	[tilespmem:$0x1D400] =	vst v63  }
0x2b: {  	_ =	swait.ge @p0 [sflag:s3], $0x8000  }
0x2c: {  	[sflag:s3] =	ssyncset.done @p0 $0x0  }
0x2d: {  	s9 =	sand.u32 $0x1, s13;
	s13 =	sadd.s32 s5, s14;
	[sflag:s3] =	ssyncadd.s32 @p0 $0xFFFF8000  }
0x2e: {  	[hbm4b:s13+s1] =	stream.linear.scatter @p0 [tilespmem:s1], [sflag:$0x3], $0x8000, $0x38;
	[tilespmem:$0x1D400] =	vst v63  }
0x2f: {  	s16 =	sshrl.u32 @!p0 s16, $0x3;
	_ =	swait.ge @p0 [sflag:s8], $0x8000  }
0x30: {  	s17 =	sshrl.u32 @!p0 s17, $0x3;
	s0 =	smul.u32 $0x1A8000, s9;
	[sflag:s8] =	ssyncset.done @p0 $0x0  }
0x31: {  	s18 =	simm.s32 @!p0 $0x1C01;
	s19 =	simm.s32 @!p0 $0x1C02;
	[sflag:s8] =	ssyncadd.s32 @p0 $0xFFFF8000  }
0x32: {  	s20 =	simm.s32 @!p0 $0x1;
	s31 =	sshrl.u32 s0, $0x3;
	_ =	swait.ge @p0 [sflag:s4], $0x8000  }
0x33: {  	s21 =	sadd.s32 $0x96000, s31;
	s26 =	sadd.s32 $0xA3400, s31;
	[sflag:s4] =	ssyncset.done @p0 $0x0  }
0x34: {  	s14 =	sadd.s32 s30, s21;
	s15 =	sadd.s32 s30, s26;
	[sflag:s4] =	ssyncadd.s32 @p0 $0xFFFF8000  }
0x35: {  	[spmem:s16], [sflag:s18] =	dma.local @!p0 [hbm:s14], $0xD400  }
0x36: {  	[spmem:s17], [sflag:s19] =	dma.local @!p0 [hbm:s15], $0xD400  }
0x37: {  	_ =	swait.ge @!p0 [sflag:s20], $0xD400  }
0x38: {  	s22 =	simm.s32 @!p0 $0x1C03;
	[sflag:s20] =	ssyncset.done @!p0 $0x0  }
0x39: {  	s23 =	simm.s32 @!p0 $0x3;
	s21 =	sadd.s32 s5, s21;
	[sflag:s20] =	ssyncadd.s32 @!p0 $0xFFFF2C00  }
0x3a: {  	[hbm:s21], [sflag:s22] =	dma.local @!p0 [spmem:s16], $0xD400  }
0x3b: {  	_ =	swait.ge @!p0 [sflag:s23], $0xD400  }
0x3c: {  	s7 =	smov.u32 s5;
	s5 =	sadd.s32 $0xB0800, s31;
	[sflag:s23] =	ssyncset.done @!p0 $0x0  }
0x3d: {  	s25 =	simm.s32 @!p0 $0x2;
	s24 =	sadd.s32 s30, s5;
	[sflag:s23] =	ssyncadd.s32 @!p0 $0xFFFF2C00  }
0x3e: {  	[spmem:s16], [sflag:s18] =	dma.local @!p0 [hbm:s24], $0xD400  }
0x3f: {  	_ =	swait.ge @!p0 [sflag:s25], $0xD400  }
0x40: {  	s29 =	simm.s32 @!p0 $0x1C04;
	[sflag:s25] =	ssyncset.done @!p0 $0x0  }
0x41: {  	s28 =	sadd.s32 s7, s26;
	s26 =	simm.s32 @!p0 $0x4;
	[sflag:s25] =	ssyncadd.s32 @!p0 $0xFFFF2C00  }
0x42: {  	[hbm:s28], [sflag:s29] =	dma.local @!p0 [spmem:s17], $0xD400  }
0x43: {  	_ =	swait.ge @!p0 [sflag:s26], $0xD400  }
0x44: {  	s0 =	sadd.s32 $0xBDC00, s31;
	[sflag:s26] =	ssyncset.done @!p0 $0x0  }
0x45: {  	s30 =	sadd.s32 s30, s0;
	[sflag:s26] =	ssyncadd.s32 @!p0 $0xFFFF2C00  }
0x46: {  	[spmem:s17], [sflag:s19] =	dma.local @!p0 [hbm:s30], $0xD400  }
0x47: {  	s31 =	sadd.s32 s7, s5;
	s5 =	ssub.s32 $0x2, s9;
	_ =	swait.ge @!p0 [sflag:s20], $0xD400  }
0x48: {  	s9 =	sshrl.u32 s5, $0x1;
	[sflag:s20] =	ssyncset.done @!p0 $0x0  }
0x49: {  	s5 =	ssub.s32 s5, s9;
	[sflag:s20] =	ssyncadd.s32 @!p0 $0xFFFF2C00  }
0x4a: {  	[hbm:s31], [sflag:s22] =	dma.local @!p0 [spmem:s16], $0xD400  }
0x4b: {  	s5 =	smax.u32 s5, $0x1;
	_ =	swait.ge @!p0 [sflag:s25], $0xD400  }
0x4c: {  	s5 =	sadd.s32 $0xFFFFFFFF, s5;
	[sflag:s25] =	ssyncset.done @!p0 $0x0  }
0x4d: {  	s0 =	sadd.s32 s7, s0;
	p1 =	sne.s32 s5, $0x0;
	[sflag:s25] =	ssyncadd.s32 @!p0 $0xFFFF2C00  }
0x4e: {  	[hbm:s0], [sflag:s29] =	dma.local @!p0 [spmem:s17], $0xD400  }
.Ltmp0:
0x4f: {  	_ =	swait.ge @!p0 [sflag:s23], $0xD400;
	(pc) =	sbr.rel @!p1 .LBB2_2-.Ltmp0, $4  }
0x50: {  	[sflag:s23] =	ssyncset.done @!p0 $0x0  }
0x51: {  	[sflag:s23] =	ssyncadd.s32 @!p0 $0xFFFF2C00  }
0x52: {  	_ =	swait.ge @!p0 [sflag:s26], $0xD400  }
0x53: {  	[sflag:s26] =	ssyncset.done @!p0 $0x0  }
.LBB2_1:
0x54: {  	s7 =	rddreg [dreg:$0x5];
	[sflag:s26] =	ssyncadd.s32 @!p0 $0xFFFF2C00  }
0x55: {  	[tilespmem:s1], [sflag:$0x1] =	stream.linear.gather @p0 [hbm4b:s7+s1], $0x8000, $0x38;
	[tilespmem:$0x1D400] =	vst v63  }
0x56: {  	s9 =	rddreg [dreg:$0x6]  }
0x57: {  	[tilespmem:s2], [sflag:$0x2] =	stream.linear.gather @p0 [hbm4b:s9+s1], $0x8000, $0x38;
	[tilespmem:$0x1D400] =	vst v63  }
0x58: {  	_ =	swait.ge @p0 [sflag:s3], $0x8000  }
0x59: {  	[sflag:s3] =	ssyncset.done @p0 $0x0  }
0x5a: {  	s7 =	rddreg [dreg:$0x7];
	[sflag:s3] =	ssyncadd.s32 @p0 $0xFFFF8000  }
0x5b: {  	[hbm4b:s7+s1] =	stream.linear.scatter @p0 [tilespmem:s1], [sflag:$0x3], $0x8000, $0x38;
	[tilespmem:$0x1D400] =	vst v63  }
0x5c: {  	_ =	swait.ge @p0 [sflag:s4], $0x8000  }
0x5d: {  	[sflag:s4] =	ssyncset.done @p0 $0x0  }
0x5e: {  	s7 =	rddreg [dreg:$0x8];
	[sflag:s4] =	ssyncadd.s32 @p0 $0xFFFF8000  }
0x5f: {  	[tilespmem:s1], [sflag:$0x1] =	stream.linear.gather @p0 [hbm4b:s7+s1], $0x8000, $0x38;
	[tilespmem:$0x1D400] =	vst v63  }
0x60: {  	_ =	swait.ge @p0 [sflag:s6], $0x8000  }
0x61: {  	[sflag:s6] =	ssyncset.done @p0 $0x0  }
0x62: {  	s7 =	rddreg [dreg:$0x9];
	[sflag:s6] =	ssyncadd.s32 @p0 $0xFFFF8000  }
0x63: {  	[hbm4b:s7+s1] =	stream.linear.scatter @p0 [tilespmem:s2], [sflag:$0x4], $0x8000, $0x38;
	[tilespmem:$0x1D400] =	vst v63  }
0x64: {  	_ =	swait.ge @p0 [sflag:s8], $0x8000  }
0x65: {  	[sflag:s8] =	ssyncset.done @p0 $0x0  }
0x66: {  	s7 =	rddreg [dreg:$0xa];
	[sflag:s8] =	ssyncadd.s32 @p0 $0xFFFF8000  }
0x67: {  	[tilespmem:s2], [sflag:$0x2] =	stream.linear.gather @p0 [hbm4b:s7+s1], $0x8000, $0x38;
	[tilespmem:$0x1D400] =	vst v63  }
0x68: {  	_ =	swait.ge @p0 [sflag:s3], $0x8000  }
0x69: {  	[sflag:s3] =	ssyncset.done @p0 $0x0  }
0x6a: {  	[sflag:s3] =	ssyncadd.s32 @p0 $0xFFFF8000  }
0x6b: {  	[hbm4b:s10+s1] =	stream.linear.scatter @p0 [tilespmem:s1], [sflag:$0x3], $0x8000, $0x38;
	[tilespmem:$0x1D400] =	vst v63  }
0x6c: {  	_ =	swait.ge @p0 [sflag:s4], $0x8000  }
0x6d: {  	[sflag:s4] =	ssyncset.done @p0 $0x0  }
0x6e: {  	[sflag:s4] =	ssyncadd.s32 @p0 $0xFFFF8000  }
0x6f: {  	[tilespmem:s1], [sflag:$0x1] =	stream.linear.gather @p0 [hbm4b:s11+s1], $0x8000, $0x38;
	[tilespmem:$0x1D400] =	vst v63  }
0x70: {  	_ =	swait.ge @p0 [sflag:s6], $0x8000  }
0x71: {  	[sflag:s6] =	ssyncset.done @p0 $0x0  }
0x72: {  	[sflag:s6] =	ssyncadd.s32 @p0 $0xFFFF8000  }
0x73: {  	[hbm4b:s12+s1] =	stream.linear.scatter @p0 [tilespmem:s2], [sflag:$0x4], $0x8000, $0x38;
	[tilespmem:$0x1D400] =	vst v63  }
0x74: {  	_ =	swait.ge @p0 [sflag:s3], $0x8000  }
0x75: {  	[sflag:s3] =	ssyncset.done @p0 $0x0  }
0x76: {  	[sflag:s3] =	ssyncadd.s32 @p0 $0xFFFF8000  }
0x77: {  	[hbm4b:s13+s1] =	stream.linear.scatter @p0 [tilespmem:s1], [sflag:$0x3], $0x8000, $0x38;
	[tilespmem:$0x1D400] =	vst v63  }
0x78: {  	_ =	swait.ge @p0 [sflag:s8], $0x8000  }
0x79: {  	[sflag:s8] =	ssyncset.done @p0 $0x0  }
0x7a: {  	[sflag:s8] =	ssyncadd.s32 @p0 $0xFFFF8000  }
0x7b: {  	_ =	swait.ge @p0 [sflag:s4], $0x8000  }
0x7c: {  	[sflag:s4] =	ssyncset.done @p0 $0x0  }
0x7d: {  	[sflag:s4] =	ssyncadd.s32 @p0 $0xFFFF8000  }
0x7e: {  	[spmem:s16], [sflag:s18] =	dma.local @!p0 [hbm:s14], $0xD400  }
0x7f: {  	[spmem:s17], [sflag:s19] =	dma.local @!p0 [hbm:s15], $0xD400  }
0x80: {  	_ =	swait.ge @!p0 [sflag:s20], $0xD400  }
0x81: {  	[sflag:s20] =	ssyncset.done @!p0 $0x0  }
0x82: {  	[sflag:s20] =	ssyncadd.s32 @!p0 $0xFFFF2C00  }
0x83: {  	[hbm:s21], [sflag:s22] =	dma.local @!p0 [spmem:s16], $0xD400  }
0x84: {  	_ =	swait.ge @!p0 [sflag:s23], $0xD400  }
0x85: {  	[sflag:s23] =	ssyncset.done @!p0 $0x0  }
0x86: {  	[sflag:s23] =	ssyncadd.s32 @!p0 $0xFFFF2C00  }
0x87: {  	[spmem:s16], [sflag:s18] =	dma.local @!p0 [hbm:s24], $0xD400  }
0x88: {  	_ =	swait.ge @!p0 [sflag:s25], $0xD400  }
0x89: {  	[sflag:s25] =	ssyncset.done @!p0 $0x0  }
0x8a: {  	[sflag:s25] =	ssyncadd.s32 @!p0 $0xFFFF2C00  }
0x8b: {  	[hbm:s28], [sflag:s29] =	dma.local @!p0 [spmem:s17], $0xD400  }
0x8c: {  	_ =	swait.ge @!p0 [sflag:s26], $0xD400  }
0x8d: {  	[sflag:s26] =	ssyncset.done @!p0 $0x0  }
0x8e: {  	[sflag:s26] =	ssyncadd.s32 @!p0 $0xFFFF2C00  }
0x8f: {  	[spmem:s17], [sflag:s19] =	dma.local @!p0 [hbm:s30], $0xD400  }
0x90: {  	_ =	swait.ge @!p0 [sflag:s20], $0xD400  }
0x91: {  	[sflag:s20] =	ssyncset.done @!p0 $0x0  }
0x92: {  	[sflag:s20] =	ssyncadd.s32 @!p0 $0xFFFF2C00  }
0x93: {  	[hbm:s31], [sflag:s22] =	dma.local @!p0 [spmem:s16], $0xD400  }
0x94: {  	_ =	swait.ge @!p0 [sflag:s25], $0xD400  }
0x95: {  	s5 =	sadd.s32 $0xFFFFFFFF, s5;
	[sflag:s25] =	ssyncset.done @!p0 $0x0  }
0x96: {  	p1 =	sne.s32 s5, $0x0;
	[sflag:s25] =	ssyncadd.s32 @!p0 $0xFFFF2C00  }
0x97: {  	[hbm:s0], [sflag:s29] =	dma.local @!p0 [spmem:s17], $0xD400  }
.Ltmp1:
0x98: {  	_ =	swait.ge @!p0 [sflag:s23], $0xD400;
	(pc) =	sbr.rel @p1 .LBB2_1-.Ltmp1, $4  }
0x99: {  	[sflag:s23] =	ssyncset.done @!p0 $0x0  }
0x9a: {  	[sflag:s23] =	ssyncadd.s32 @!p0 $0xFFFF2C00  }
0x9b: {  	_ =	swait.ge @!p0 [sflag:s26], $0xD400  }
0x9c: {  	[sflag:s26] =	ssyncset.done @!p0 $0x0  }
.LBB2_2:
0x9d: {  	[sflag:s26] =	ssyncadd.s32 @!p0 $0xFFFF2C00  }
0x9e: {  	_ =	sfence.sel $0x180000  }
0x9f: {  	[bflag:$0x0] =	sbarrier.arrive $0xFFFF  }
0xa0: {  	_ =	strace $0x90000047  }
0xa1: {  	[bflag:$0x2] =	sbarrier.arrive $0xFFFF  }
0xa2: {  	s0 =	rddreg [dreg:$0x4]  }
0xa3: {  	s0 =	sadd.s32 @!p0 $0x100000, s0  }
0xa4: {  	[sflag:s0] =	ssyncadd.tile.s32 @!p0 $0x1;
	_ =	shalt  }
.Lfunc_end2:
_tile_overlayer_lowered:
.L_overlay_start_2:
0xa5: {  	(tag) =	ssettag $0x2  }
0xa6: {  	s0 =	rddreg [dreg:$0x0];
	s2 =	stileid.u32  }
0xa7: {  	s1 =	rddreg [dreg:$0x1];
	p0 =	sne.s32 s2, $0x0  }
0xa8: {  	s3 =	rddreg [dreg:$0x2];
	[bflag:$0x3] =	sbarrier.arrive $0xFFFF;
	s2 =	simm.s32 @!p0 $0x1C05  }
0xa9: {  	[timem:s3], [sflag:s2] =	dma.local @!p0 [hbm:s0], s1  }
0xaa: {  	s0 =	simm.s32 @!p0 $0x5  }
0xab: {  	_ =	swait.ge @!p0 [sflag:s0], s1  }
0xac: {  	s1 =	ssub.s32 @!p0 $0x0, s1;
	[sflag:s0] =	ssyncset.done @!p0 $0x0  }
0xad: {  	[sflag:s0] =	ssyncadd.s32 @!p0 s1  }
0xae: {  	[bflag:$0x3] =	sbarrier.arrive $0xFFFF  }
0xaf: {  	_ =	shalt  }

</sc_bundles>
